<compile_context>
chip_gen: v7x
topology: tpu7x:2x2x1
jax: 0.10.2.dev20260603
libtpu: 0.0.44.dev20260713+nightly
codegen_flags: <defaults>
</compile_context>

<pallas_src>
import functools

import jax
import jax.numpy as jnp
from jax import lax
from jax.experimental import pallas as pl
from jax.experimental.pallas import tpu as pltpu
from jax.experimental.pallas import tpu_sc as plsc

_NUM_VALS = 1001
_TABLE_PAD = 1024
_BATCH = 16384


def _table_body(embedT_ref, w1t_ref, b1_ref, w2_ref, b2_ref, out_ref):
    hT = jnp.einsum("kj,kr->jr", w1t_ref[...], embedT_ref[...],
                    preferred_element_type=jnp.float32)
    hT = jnp.maximum(hT + b1_ref[...][:, None], 0.0)
    logits = jnp.dot(w2_ref[...], hT,
                     preferred_element_type=jnp.float32) + b2_ref[0, 0]
    sig = jax.nn.sigmoid(logits)
    for s in range(8):
        out_ref[pl.ds(s, 1), :] = sig[:, s * 128:(s + 1) * 128]


def _compute_table(embed, W1, b1, W2, b2):
    return pl.pallas_call(
        _table_body,
        grid=(1,),
        in_specs=[
            pl.BlockSpec((32, _TABLE_PAD), lambda i: (0, 0)),
            pl.BlockSpec((32, 64), lambda i: (0, 0)),
            pl.BlockSpec((64,), lambda i: (0,)),
            pl.BlockSpec((1, 64), lambda i: (0, 0)),
            pl.BlockSpec((1, 1), lambda i: (0, 0)),
        ],
        out_specs=pl.BlockSpec((8, 128), lambda i: (0, 0)),
        out_shape=jax.ShapeDtypeStruct((8, 128), jnp.float32),
        compiler_params=pltpu.CompilerParams(
            fuse_transposed_lhs_in_matmul=True),
    )(embed.T, W1.T, b1, W2, b2[None, :]).reshape(_TABLE_PAD)


@functools.cache
def _build_gather():
    info = plsc.get_sparse_core_info()
    nw = info.num_cores * info.num_subcores
    lanes = info.num_lanes
    chunk = _BATCH // nw
    mesh = plsc.VectorSubcoreMesh(core_axis_name="c", subcore_axis_name="s")

    @functools.partial(
        pl.kernel,
        out_type=jax.ShapeDtypeStruct((_BATCH,), jnp.float32),
        mesh=mesh,
        scratch_types=[
            pltpu.VMEM((chunk,), jnp.int32),
            pltpu.VMEM((_TABLE_PAD,), jnp.float32),
            pltpu.VMEM((chunk,), jnp.float32),
            pltpu.SemaphoreType.DMA,
            pltpu.SemaphoreType.DMA,
        ],
        compiler_params=pltpu.CompilerParams(needs_layout_passes=False),
    )
    def gather_kernel(t_hbm, table_hbm, out_hbm, idx_v, table_v, out_v,
                      sem_t, sem_i):
        wid = lax.axis_index("s") * info.num_cores + lax.axis_index("c")
        base = wid * chunk
        cp_table = pltpu.async_copy(table_hbm, table_v, sem_t)
        cp_idx = pltpu.async_copy(t_hbm.at[pl.ds(base, chunk)], idx_v, sem_i)
        cp_table.wait()
        cp_idx.wait()

        def body(j, carry):
            idx = idx_v[pl.ds(j * lanes, lanes)]
            out_v[pl.ds(j * lanes, lanes)] = plsc.load_gather(table_v, [idx])
            return carry

        lax.fori_loop(0, chunk // lanes, body, 0)
        pltpu.sync_copy(out_v, out_hbm.at[pl.ds(base, chunk)])

    return gather_kernel


def kernel(t, embed, W1, b1, W2, b2):
    table = _compute_table(embed, W1, b1, W2, b2)
    return _build_gather()(t.astype(jnp.int32), table)

# --- scband reference (transcript-rebuilt; emitter-appended) ---
"""Pipeline reference for scband-timestep-attribute-weighter-88356067214146 (READ-ONLY COPY).

The authoritative reference and input builder live on the scoring server;
editing this copy changes nothing except your own understanding.
"""

import jax, jax.numpy as jnp
import numpy as np

NUM_TIMESTEPS = 1000
BATCH = 16384

def setup_inputs(seed: int = 0) -> dict:
    key = jax.random.key(seed)
    k_t, k_emb, k_w1, k_b1, k_w2, k_b2 = jax.random.split(key, 6)
    t = jax.random.randint(k_t, (BATCH,), 0, NUM_TIMESTEPS + 1, dtype=jnp.int64) if jax.config.jax_enable_x64 else jax.random.randint(k_t, (BATCH,), 0, NUM_TIMESTEPS + 1).astype(jnp.int32)
    embed = jax.random.normal(k_emb, (NUM_TIMESTEPS + 1, 32), dtype=jnp.float32)
    # torch nn.Linear default init: U(-1/sqrt(fan_in), 1/sqrt(fan_in))
    lim1 = 1.0 / np.sqrt(32.0)
    W1 = jax.random.uniform(k_w1, (64, 32), minval=-lim1, maxval=lim1, dtype=jnp.float32)
    b1 = jax.random.uniform(k_b1, (64,), minval=-lim1, maxval=lim1, dtype=jnp.float32)
    lim2 = 1.0 / np.sqrt(64.0)
    W2 = jax.random.uniform(k_w2, (1, 64), minval=-lim2, maxval=lim2, dtype=jnp.float32)
    b2 = jax.random.uniform(k_b2, (1,), minval=-lim2, maxval=lim2, dtype=jnp.float32)
    return {"t": t, "embed": embed, "W1": W1, "b1": b1, "W2": W2, "b2": b2}

def reference(t, embed, W1, b1, W2, b2):
    # t_emb = self.embed(t)
    t_emb = jnp.take(embed, t, axis=0)  # [B, 32]
    # mlp: Linear(32,64) -> ReLU -> Linear(64,1) -> Sigmoid
    h = t_emb @ W1.T + b1  # [B, 64]
    h = jax.nn.relu(h)
    out = h @ W2.T + b2  # [B, 1]
    alpha = jax.nn.sigmoid(out)
    alpha = jnp.squeeze(alpha, axis=-1)  # [B]
    return alpha

if __name__ == "__main__":
    import jax
    _d = setup_inputs()
    print(jax.jit(kernel)(*tuple(_d.values())))

</pallas_src>

<mosaic_0001>
#map = affine_map<(d0, d1) -> (0)>
module attributes {stable_mosaic.version = 14 : i64} {
  func.func @gather_kernel(%arg0: i32, %arg1: i32, %arg2: memref<16384xi32, #tpu.memory_space<hbm>>, %arg3: memref<1024xf32, #tpu.memory_space<hbm>>, %arg4: memref<16384xf32, #tpu.memory_space<hbm>>, %arg5: memref<512xi32, #tpu.memory_space<vmem>>, %arg6: memref<1024xf32, #tpu.memory_space<vmem>>, %arg7: memref<512xf32, #tpu.memory_space<vmem>>, %arg8: memref<!tpu.dma_semaphore, #tpu.memory_space<semaphore_mem>>, %arg9: memref<!tpu.dma_semaphore, #tpu.memory_space<semaphore_mem>>) attributes {dimension_semantics = [#tpu.dimension_semantics<core_parallel>, #tpu.dimension_semantics<subcore_parallel>], iteration_bounds = array<i64: 2, 16>, scalar_prefetch = 0 : i64, scratch_operands = 5 : i64, tpu.core_type = #tpu.core_type<sc_vector_subcore>, window_params = [{transform_indices = #map}, {transform_indices = #map}, {transform_indices = #map}]} {
    %mul3A = arith.constant 2 : i32
    %mul3A_0 = arith.muli %arg1, %mul3A : i32
    %add3A = arith.addi %mul3A_0, %arg0 : i32
    %mul3A_1 = arith.constant 512 : i32
    %mul3A_2 = arith.muli %add3A, %mul3A_1 : i32
    tpu.enqueue_dma source(%arg3 : memref<1024xf32, #tpu.memory_space<hbm>>) target(%arg6 : memref<1024xf32, #tpu.memory_space<vmem>>) target_semaphore(%arg8 : memref<!tpu.dma_semaphore, #tpu.memory_space<semaphore_mem>>)
    %dma_start3A = tpu.memref_slice %arg2[%mul3A_2] : memref<16384xi32, #tpu.memory_space<hbm>> -> memref<512xi32, #tpu.memory_space<hbm>>
    %dma_start3A_3 = tpu.memref_slice %arg2[%mul3A_2] : memref<16384xi32, #tpu.memory_space<hbm>> -> memref<512xi32, #tpu.memory_space<hbm>>
    tpu.enqueue_dma source(%dma_start3A_3 : memref<512xi32, #tpu.memory_space<hbm>>) target(%arg5 : memref<512xi32, #tpu.memory_space<vmem>>) target_semaphore(%arg9 : memref<!tpu.dma_semaphore, #tpu.memory_space<semaphore_mem>>)
    tpu.wait_dma2 semaphore(%arg8 : memref<!tpu.dma_semaphore, #tpu.memory_space<semaphore_mem>>) src(%arg3 : memref<1024xf32, #tpu.memory_space<hbm>>) dst(%arg6 : memref<1024xf32, #tpu.memory_space<vmem>>)
    %dma_wait3A = tpu.memref_slice %arg2[%mul3A_2] : memref<16384xi32, #tpu.memory_space<hbm>> -> memref<512xi32, #tpu.memory_space<hbm>>
    %dma_wait3A_4 = tpu.memref_slice %arg2[%mul3A_2] : memref<16384xi32, #tpu.memory_space<hbm>> -> memref<512xi32, #tpu.memory_space<hbm>>
    tpu.wait_dma2 semaphore(%arg9 : memref<!tpu.dma_semaphore, #tpu.memory_space<semaphore_mem>>) src(%dma_wait3A_4 : memref<512xi32, #tpu.memory_space<hbm>>) dst(%arg5 : memref<512xi32, #tpu.memory_space<vmem>>)
    %scan3A = arith.constant 0 : i32
    %scan3A_5 = arith.constant 0 : i32
    %scan3A_6 = arith.constant 32 : i32
    %scan3A_7 = arith.addi %scan3A_5, %scan3A_6 : i32
    %scan3A_8 = arith.constant 1 : i32
    scf.for %scan3A_10 = %scan3A_5 to %scan3A_7 step %scan3A_8  : i32 {
      %mul3A_11 = arith.constant 16 : i32
      %mul3A_12 = arith.muli %scan3A_10, %mul3A_11 : i32
      %get3A = arith.index_cast %mul3A_12 : i32 to index
      %get3A_13 = tpu.vector_load %arg5[%get3A] {strides = array<i32>} : memref<512xi32, #tpu.memory_space<vmem>>, vector<16xi32>,
      %gather3A = tpu.vector_load_idx %arg6[%get3A_13] : memref<1024xf32, #tpu.memory_space<vmem>>[vector<16xi32>], vector<16xf32>,
      %mul3A_14 = arith.constant 16 : i32
      %mul3A_15 = arith.muli %scan3A_10, %mul3A_14 : i32
      %swap3A = arith.index_cast %mul3A_15 : i32 to index
      %swap3A_16 = tpu.vector_load %arg7[%swap3A] {strides = array<i32>} : memref<512xf32, #tpu.memory_space<vmem>>, vector<16xf32>,
      tpu.vector_store %arg7[%swap3A], %gather3A {strides = array<i32>} : memref<512xf32, #tpu.memory_space<vmem>>, vector<16xf32>,
    }
    %scan3A_9 = arith.constant 32 : i32
    "tpu.region"() ({
      %run_scoped3A = tpu.sem_alloc : memref<!tpu.dma_semaphore, #tpu.memory_space<semaphore_mem>>
      %dma_start3A_10 = tpu.memref_slice %arg4[%mul3A_2] : memref<16384xf32, #tpu.memory_space<hbm>> -> memref<512xf32, #tpu.memory_space<hbm>>
      %dma_start3A_11 = tpu.memref_slice %arg4[%mul3A_2] : memref<16384xf32, #tpu.memory_space<hbm>> -> memref<512xf32, #tpu.memory_space<hbm>>
      tpu.enqueue_dma source(%arg7 : memref<512xf32, #tpu.memory_space<vmem>>) target(%dma_start3A_11 : memref<512xf32, #tpu.memory_space<hbm>>) target_semaphore(%run_scoped3A : memref<!tpu.dma_semaphore, #tpu.memory_space<semaphore_mem>>)
      %dma_wait3A_12 = tpu.memref_slice %arg4[%mul3A_2] : memref<16384xf32, #tpu.memory_space<hbm>> -> memref<512xf32, #tpu.memory_space<hbm>>
      %dma_wait3A_13 = tpu.memref_slice %arg4[%mul3A_2] : memref<16384xf32, #tpu.memory_space<hbm>> -> memref<512xf32, #tpu.memory_space<hbm>>
      tpu.wait_dma2 semaphore(%run_scoped3A : memref<!tpu.dma_semaphore, #tpu.memory_space<semaphore_mem>>) src(%arg7 : memref<512xf32, #tpu.memory_space<vmem>>) dst(%dma_wait3A_13 : memref<512xf32, #tpu.memory_space<hbm>>)
      tpu.yield
    }) : () -> ()
    return
  }
}

module attributes {stable_mosaic.version = 14 : i64} {
  func.func @_table_body(%arg0: i32, %arg1: memref<32x1024xf32, #tpu.memory_space<vmem>>, %arg2: memref<32x64xf32, #tpu.memory_space<vmem>>, %arg3: memref<64xf32, #tpu.memory_space<vmem>>, %arg4: memref<1x64xf32, #tpu.memory_space<vmem>>, %arg5: memref<1x1xf32, #tpu.memory_space<vmem>>, %arg6: memref<8x128xf32, #tpu.memory_space<vmem>>) attributes {dimension_semantics = [#tpu.dimension_semantics<arbitrary>], iteration_bounds = array<i64: 1>, scalar_prefetch = 0 : i64, scratch_operands = 0 : i64, tpu.core_type = #tpu.core_type<tc>, window_params = [{transform_indices = @transform_0, window_bounds = array<i64: 32, 1024>}, {pipeline_mode = #tpu.pipeline_mode<synchronous>, transform_indices = @transform_1, window_bounds = array<i64: 32, 64>}, {pipeline_mode = #tpu.pipeline_mode<synchronous>, transform_indices = @transform_2, window_bounds = array<i64: 64>}, {pipeline_mode = #tpu.pipeline_mode<synchronous>, transform_indices = @transform_3, window_bounds = array<i64: 1, 64>}, {pipeline_mode = #tpu.pipeline_mode<synchronous>, transform_indices = @transform_4, window_bounds = array<i64: 1, 1>}, {pipeline_mode = #tpu.pipeline_mode<synchronous>, transform_indices = @transform_5, window_bounds = array<i64: 8, 128>}]} {
    %get3A = arith.constant 0 : index
    %get3A_0 = arith.constant 0 : index
    %get3A_1 = vector.load %arg2[%get3A, %get3A_0] : memref<32x64xf32, #tpu.memory_space<vmem>>, vector<32x64xf32>
    %get3A_2 = arith.constant 0 : index
    %get3A_3 = arith.constant 0 : index
    %get3A_4 = vector.load %arg1[%get3A_2, %get3A_3] : memref<32x1024xf32, #tpu.memory_space<vmem>>, vector<32x1024xf32>
    "tpu.trace_start"() <{level = 10 : i32, message = "kj,kr->jr"}> : () -> ()
    %dot_general3A = arith.constant dense<0.000000e+00> : vector<64x1024xf32>
    %dot_general3A_5 = tpu.matmul %get3A_1, %get3A_4, %dot_general3A {dimension_numbers = #tpu.dot_dimension_numbers<[0], [0], [1], [1], [0, 1, 1, 1], [], []>, transpose_lhs_hint = true} : vector<32x64xf32>, vector<32x1024xf32>, vector<64x1024xf32> -> vector<64x1024xf32>
    "tpu.trace_stop"() : () -> ()
    %get3A_6 = arith.constant 0 : index
    %get3A_7 = vector.load %arg3[%get3A_6] : memref<64xf32, #tpu.memory_space<vmem>>, vector<64xf32>
    %broadcast_in_dim3A = vector.shape_cast %get3A_7 : vector<64xf32> to vector<64x1xf32>
    %add3A = vector.broadcast %broadcast_in_dim3A : vector<64x1xf32> to vector<64x1024xf32>
    %add3A_8 = arith.addf %dot_general3A_5, %add3A : vector<64x1024xf32>
    %max3A = arith.constant 0.000000e+00 : f32
    %max3A_9 = vector.broadcast %max3A : f32 to vector<64x1024xf32>
    %max3A_10 = arith.maximumf %add3A_8, %max3A_9 : vector<64x1024xf32>
    %get3A_11 = arith.constant 0 : index
    %get3A_12 = arith.constant 0 : index
    %get3A_13 = vector.load %arg4[%get3A_11, %get3A_12] : memref<1x64xf32, #tpu.memory_space<vmem>>, vector<1x64xf32>
    %dot_general3A_14 = arith.constant dense<0.000000e+00> : vector<1x1024xf32>
    %dot_general3A_15 = tpu.matmul %get3A_13, %max3A_10, %dot_general3A_14 {dimension_numbers = #tpu.dot_dimension_numbers<[1], [0], [0], [1], [0, 0, 1, 1], [], []>, transpose_lhs_hint = false} : vector<1x64xf32>, vector<64x1024xf32>, vector<1x1024xf32> -> vector<1x1024xf32>
    %get3A_16 = arith.constant 0 : index
    %get3A_17 = arith.constant 0 : index
    %get3A_18 = vector.load %arg5[%get3A_16, %get3A_17] : memref<1x1xf32, #tpu.memory_space<vmem>>, vector<1x1xf32>
    %get3A_19 = vector.extract %get3A_18[0, 0] : f32 from vector<1x1xf32>
    %add3A_20 = vector.broadcast %get3A_19 : f32 to vector<1x1024xf32>
    %add3A_21 = arith.addf %dot_general3A_15, %add3A_20 : vector<1x1024xf32>
    %logistic3A = arith.negf %add3A_21 : vector<1x1024xf32>
    %logistic3A_22 = math.exp %logistic3A : vector<1x1024xf32>
    %logistic3A_23 = arith.constant 1.000000e+00 : f32
    %logistic3A_24 = vector.broadcast %logistic3A_23 : f32 to vector<1x1024xf32>
    %logistic3A_25 = arith.addf %logistic3A_24, %logistic3A_22 : vector<1x1024xf32>
    %logistic3A_26 = arith.divf %logistic3A_24, %logistic3A_25 : vector<1x1024xf32>
    %slice3A = vector.extract_strided_slice %logistic3A_26 {offsets = [0, 0], sizes = [1, 128], strides = [1, 1]} : vector<1x1024xf32> to vector<1x128xf32>
    %swap3A = arith.constant 0 : index
    %swap3A_27 = arith.constant 0 : index
    %swap3A_28 = vector.load %arg6[%swap3A, %swap3A_27] : memref<8x128xf32, #tpu.memory_space<vmem>>, vector<1x128xf32>
    tpu.vector_store %arg6[%swap3A, %swap3A_27], %slice3A {strides = array<i32>} : memref<8x128xf32, #tpu.memory_space<vmem>>, vector<1x128xf32>,
    %slice3A_29 = vector.extract_strided_slice %logistic3A_26 {offsets = [0, 128], sizes = [1, 128], strides = [1, 1]} : vector<1x1024xf32> to vector<1x128xf32>
    %swap3A_30 = arith.constant 1 : index
    %swap3A_31 = arith.constant 0 : index
    %swap3A_32 = vector.load %arg6[%swap3A_30, %swap3A_31] : memref<8x128xf32, #tpu.memory_space<vmem>>, vector<1x128xf32>
    tpu.vector_store %arg6[%swap3A_30, %swap3A_31], %slice3A_29 {strides = array<i32>} : memref<8x128xf32, #tpu.memory_space<vmem>>, vector<1x128xf32>,
    %slice3A_33 = vector.extract_strided_slice %logistic3A_26 {offsets = [0, 256], sizes = [1, 128], strides = [1, 1]} : vector<1x1024xf32> to vector<1x128xf32>
    %swap3A_34 = arith.constant 2 : index
    %swap3A_35 = arith.constant 0 : index
    %swap3A_36 = vector.load %arg6[%swap3A_34, %swap3A_35] : memref<8x128xf32, #tpu.memory_space<vmem>>, vector<1x128xf32>
    tpu.vector_store %arg6[%swap3A_34, %swap3A_35], %slice3A_33 {strides = array<i32>} : memref<8x128xf32, #tpu.memory_space<vmem>>, vector<1x128xf32>,
    %slice3A_37 = vector.extract_strided_slice %logistic3A_26 {offsets = [0, 384], sizes = [1, 128], strides = [1, 1]} : vector<1x1024xf32> to vector<1x128xf32>
    %swap3A_38 = arith.constant 3 : index
    %swap3A_39 = arith.constant 0 : index
    %swap3A_40 = vector.load %arg6[%swap3A_38, %swap3A_39] : memref<8x128xf32, #tpu.memory_space<vmem>>, vector<1x128xf32>
    tpu.vector_store %arg6[%swap3A_38, %swap3A_39], %slice3A_37 {strides = array<i32>} : memref<8x128xf32, #tpu.memory_space<vmem>>, vector<1x128xf32>,
    %slice3A_41 = vector.extract_strided_slice %logistic3A_26 {offsets = [0, 512], sizes = [1, 128], strides = [1, 1]} : vector<1x1024xf32> to vector<1x128xf32>
    %swap3A_42 = arith.constant 4 : index
    %swap3A_43 = arith.constant 0 : index
    %swap3A_44 = vector.load %arg6[%swap3A_42, %swap3A_43] : memref<8x128xf32, #tpu.memory_space<vmem>>, vector<1x128xf32>
    tpu.vector_store %arg6[%swap3A_42, %swap3A_43], %slice3A_41 {strides = array<i32>} : memref<8x128xf32, #tpu.memory_space<vmem>>, vector<1x128xf32>,
    %slice3A_45 = vector.extract_strided_slice %logistic3A_26 {offsets = [0, 640], sizes = [1, 128], strides = [1, 1]} : vector<1x1024xf32> to vector<1x128xf32>
    %swap3A_46 = arith.constant 5 : index
    %swap3A_47 = arith.constant 0 : index
    %swap3A_48 = vector.load %arg6[%swap3A_46, %swap3A_47] : memref<8x128xf32, #tpu.memory_space<vmem>>, vector<1x128xf32>
    tpu.vector_store %arg6[%swap3A_46, %swap3A_47], %slice3A_45 {strides = array<i32>} : memref<8x128xf32, #tpu.memory_space<vmem>>, vector<1x128xf32>,
    %slice3A_49 = vector.extract_strided_slice %logistic3A_26 {offsets = [0, 768], sizes = [1, 128], strides = [1, 1]} : vector<1x1024xf32> to vector<1x128xf32>
    %swap3A_50 = arith.constant 6 : index
    %swap3A_51 = arith.constant 0 : index
    %swap3A_52 = vector.load %arg6[%swap3A_50, %swap3A_51] : memref<8x128xf32, #tpu.memory_space<vmem>>, vector<1x128xf32>
    tpu.vector_store %arg6[%swap3A_50, %swap3A_51], %slice3A_49 {strides = array<i32>} : memref<8x128xf32, #tpu.memory_space<vmem>>, vector<1x128xf32>,
    %slice3A_53 = vector.extract_strided_slice %logistic3A_26 {offsets = [0, 896], sizes = [1, 128], strides = [1, 1]} : vector<1x1024xf32> to vector<1x128xf32>
    %swap3A_54 = arith.constant 7 : index
    %swap3A_55 = arith.constant 0 : index
    %swap3A_56 = vector.load %arg6[%swap3A_54, %swap3A_55] : memref<8x128xf32, #tpu.memory_space<vmem>>, vector<1x128xf32>
    tpu.vector_store %arg6[%swap3A_54, %swap3A_55], %slice3A_53 {strides = array<i32>} : memref<8x128xf32, #tpu.memory_space<vmem>>, vector<1x128xf32>,
    return
  }
  func.func @transform_0(%arg0: i32) -> (i32, i32) {
    %c0_i32 = arith.constant 0 : i32
    %c0_i32_0 = arith.constant 0 : i32
    %c0_i32_1 = arith.constant 0 : i32
    return %c0_i32, %c0_i32_0 : i32, i32
  }
  func.func @transform_1(%arg0: i32) -> (i32, i32) {
    %c0_i32 = arith.constant 0 : i32
    %c0_i32_0 = arith.constant 0 : i32
    %c0_i32_1 = arith.constant 0 : i32
    return %c0_i32, %c0_i32_0 : i32, i32
  }
  func.func @transform_2(%arg0: i32) -> i32 {
    %c0_i32 = arith.constant 0 : i32
    %c0_i32_0 = arith.constant 0 : i32
    return %c0_i32 : i32
  }
  func.func @transform_3(%arg0: i32) -> (i32, i32) {
    %c0_i32 = arith.constant 0 : i32
    %c0_i32_0 = arith.constant 0 : i32
    %c0_i32_1 = arith.constant 0 : i32
    return %c0_i32, %c0_i32_0 : i32, i32
  }
  func.func @transform_4(%arg0: i32) -> (i32, i32) {
    %c0_i32 = arith.constant 0 : i32
    %c0_i32_0 = arith.constant 0 : i32
    %c0_i32_1 = arith.constant 0 : i32
    return %c0_i32, %c0_i32_0 : i32, i32
  }
  func.func @transform_5(%arg0: i32) -> (i32, i32) {
    %c0_i32 = arith.constant 0 : i32
    %c0_i32_0 = arith.constant 0 : i32
    %c0_i32_1 = arith.constant 0 : i32
    return %c0_i32, %c0_i32_0 : i32, i32
  }
}

</mosaic_0001>

<sc_bundles>
// kernel: kernel.4.cloned.1.call-start
scs
__scs_entry_jumppad:
0x0: {  	(pc) =	sbr.rel $0x88, $3  }
0x1: {  	(tag) =	ssettag $0x0;
	lr =	simm.s32 $0x1  }
0x2: {  	[smem:$0x3F9B] =	sst lr;
	_ =	strace $0xD0000000  }
0x3: {  	_ = 	snop  }
0x4: {  	_ = 	snop  }
0x5: {  	_ = 	snop  }
0x6: {  	_ = 	snop  }
0x7: {  	_ = 	snop  }
__scs_overlays_trampoline_lowered:
0x8: {  	[smem:$0x3FAA] =	sst s0  }
0x9: {  	[smem:$0x3FAB] =	sst s1  }
0xa: {  	[smem:$0x3FAC] =	sst s2  }
0xb: {  	[smem:$0x3FAD] =	sst s3  }
0xc: {  	[smem:$0x3FAE] =	sst s4  }
0xd: {  	[smem:$0x3FAF] =	sst s5  }
0xe: {  	[smem:$0x3FB0] =	sst s6  }
0xf: {  	[smem:$0x3FB1] =	sst s7  }
0x10: {  	[smem:$0x3FB2] =	sst s8  }
0x11: {  	[smem:$0x3FB3] =	sst s9;
	s0 =	simm.s32 @!p0 $0x0  }
0x12: {  	s1 =	sld [smem:$0x3F99];
	s0 =	simm.s32 @p0 $0x1  }
0x13: {  	[smem:$0x3FB4] =	sst s0;
	s0 =	simm.s32 @!p1 $0x0  }
0x14: {  	s2 =	sld [smem:$0x3F98];
	s0 =	simm.s32 @p1 $0x1  }
0x15: {  	[smem:$0x3FB5] =	sst s0;
	s0 =	simm.s32 @!p2 $0x0  }
0x16: {  	s3 =	sld [smem:$0x3FDB];
	s0 =	simm.s32 @p2 $0x1  }
0x17: {  	s4 =	simm.s32 $0x1BF5;
	[smem:$0x3FB7] =	sst s0  }
0x18: {  	s0 =	sld [smem:$0x3F9A];
	_ =	swait.ge [sflag:s4], $0x0  }
0x19: {  	s7 =	sld [smem:$0x3F9B]  }
0x1a: {  	s8 =	sadd.s32 $0xFFFFE003, lr  }
0x1b: {  	s9 =	sadd.s32 $0xFFFFFEF7, lr;
	s5 =	simm.s32 $0xFFFFFFFF;
	p2 =	slt.u32 s8, $0xFFFFF086  }
0x1c: {  	p1 =	slt.u32 s9, $0xF7A;
	s5 =	simm.s32 @!p2 $0x0  }
0x1d: {  	s5 =	simm.s32 @p1 $0x1;
	p0 =	seq.s32 s7, s2  }
0x1e: {  	s7 =	smul.u32 @!p0 $0xF7A, s2;
	p2 =	seq.s32 @!p0 s5, $0x0  }
0x1f: {  	s9 =	smul.u32 $0xF7A, s1;
	s8 =	simm.s32 @!p0 $0x1BF5;
	p2 =	por !p2, p0  }
0x20: {  	[sflag:s8] =	ssyncset.s32 @!p0 $0xFFFFF086;
	s6 =	sadd.s32 @!p0 s3, s7;
	s7 =	simm.s32 @!p0 $0x108  }
0x21: {  	s3 =	sadd.s32 s3, s9;
	s6 =	sadd.s32 @!p0 $0x88, s6;
	s7 =	simm.s32 @p2 $0x1082  }
0x22: {  	[simem:s7], [sflag:s8] =	dma.local @!p0 [hbm:s6], $0xF7A  }
0x23: {  	s9 =	sor.u32 $0xD0000000, s2;
	s6 =	simm.s32 $0x108;
	_ =	swait.ge @!p0 [sflag:s8], $0x0  }
0x24: {  	s3 =	sadd.s32 $0x88, s3;
	s6 =	simm.s32 @!p1 $0x1082;
	[sflag:s4] =	ssyncset.s32 $0xFFFFF086  }
0x25: {  	[simem:s6], [sflag:s4] =	dma.local [hbm:s3], $0xF7A  }
0x26: {  	[smem:$0x3F9B] =	sst s1;
	(tag) =	ssettag s2;
	_ =	strace s9  }
0x27: {  	s1 =	sld [smem:$0x3FAB]  }
0x28: {  	s2 =	sld [smem:$0x3FAC]  }
0x29: {  	s4 =	sld [smem:$0x3FAE]  }
0x2a: {  	p0 =	seq.s32 s5, $0x0;
	s5 =	sld [smem:$0x3FAF]  }
0x2b: {  	s6 =	sld [smem:$0x3FB0]  }
0x2c: {  	s7 =	sld [smem:$0x3FB1]  }
0x2d: {  	s3 =	simm.s32 $0x108;
	s8 =	sld [smem:$0x3FB2]  }
0x2e: {  	s3 =	simm.s32 @!p0 $0x1082;
	s9 =	sld [smem:$0x3FB3]  }
0x2f: {  	lr =	sadd.s32 s0, s3;
	s0 =	sld [smem:$0x3FAA]  }
0x30: {  	s3 =	sld [smem:$0x3FAD]  }
0x31: {  	[smem:$0x3FB6] =	sst s10  }
0x32: {  	s10 =	sld [smem:$0x3FB4];
	_ =	sdelay $0x3  }
0x33: {  	p0 =	seq.s32 s10, $0x1;
	s10 =	sld [smem:$0x3FB6];
	_ =	sdelay $0x3  }
0x34: {  	[smem:$0x3FB6] =	sst s10  }
0x35: {  	s10 =	sld [smem:$0x3FB5];
	_ =	sdelay $0x3  }
0x36: {  	p1 =	seq.s32 s10, $0x1;
	s10 =	sld [smem:$0x3FB6];
	_ =	sdelay $0x3  }
0x37: {  	[smem:$0x3FB6] =	sst s10  }
0x38: {  	s10 =	sld [smem:$0x3FB7]  }
0x39: {  	_ = 	snop;
	(pc) =	sbr.ind lr, $3  }
0x3a: {  	_ = 	snop  }
0x3b: {  	_ = 	snop  }
0x3c: {  	p2 =	seq.s32 s10, $0x1;
	s10 =	sld [smem:$0x3FB6]  }
0x3d: {  	_ =	shalt  }
0x3e: {  	_ =	shalt  }
0x3f: {  	_ =	shalt  }
0x40: {  	_ =	shalt  }
0x41: {  	_ =	shalt  }
0x42: {  	_ =	shalt  }
0x43: {  	_ =	shalt  }
0x44: {  	_ =	shalt  }
0x45: {  	_ =	shalt  }
0x46: {  	_ =	shalt  }
0x47: {  	_ =	shalt  }
0x48: {  	_ =	shalt  }
0x49: {  	_ =	shalt  }
0x4a: {  	_ =	shalt  }
0x4b: {  	_ =	shalt  }
0x4c: {  	_ =	shalt  }
0x4d: {  	_ =	shalt  }
0x4e: {  	_ =	shalt  }
0x4f: {  	_ =	shalt  }
0x50: {  	_ =	shalt  }
0x51: {  	_ =	shalt  }
0x52: {  	_ =	shalt  }
0x53: {  	_ =	shalt  }
0x54: {  	_ =	shalt  }
0x55: {  	_ =	shalt  }
0x56: {  	_ =	shalt  }
0x57: {  	_ =	shalt  }
0x58: {  	_ =	shalt  }
0x59: {  	_ =	shalt  }
0x5a: {  	_ =	shalt  }
0x5b: {  	_ =	shalt  }
0x5c: {  	_ =	shalt  }
0x5d: {  	_ =	shalt  }
0x5e: {  	_ =	shalt  }
0x5f: {  	_ =	shalt  }
0x60: {  	_ =	shalt  }
0x61: {  	_ =	shalt  }
0x62: {  	_ =	shalt  }
0x63: {  	_ =	shalt  }
0x64: {  	_ =	shalt  }
0x65: {  	_ =	shalt  }
0x66: {  	_ =	shalt  }
0x67: {  	_ =	shalt  }
0x68: {  	_ =	shalt  }
0x69: {  	_ =	shalt  }
0x6a: {  	_ =	shalt  }
0x6b: {  	_ =	shalt  }
0x6c: {  	_ =	shalt  }
0x6d: {  	_ =	shalt  }
0x6e: {  	_ =	shalt  }
0x6f: {  	_ =	shalt  }
0x70: {  	_ =	shalt  }
0x71: {  	_ =	shalt  }
0x72: {  	_ =	shalt  }
0x73: {  	_ =	shalt  }
0x74: {  	_ =	shalt  }
0x75: {  	_ =	shalt  }
0x76: {  	_ =	shalt  }
0x77: {  	_ =	shalt  }
0x78: {  	_ =	shalt  }
0x79: {  	_ =	shalt  }
0x7a: {  	_ =	shalt  }
0x7b: {  	_ =	shalt  }
0x7c: {  	_ =	shalt  }
0x7d: {  	_ =	shalt  }
0x7e: {  	_ =	shalt  }
0x7f: {  	_ =	shalt  }
0x80: {  	_ =	shalt  }
0x81: {  	_ =	shalt  }
0x82: {  	_ =	shalt  }
0x83: {  	_ =	shalt  }
0x84: {  	_ =	shalt  }
0x85: {  	_ =	shalt  }
0x86: {  	_ =	shalt  }
0x87: {  	_ =	shalt  }
.Lfunc_end0:
.L_simem_size_0:
called_computation_lowered:
.L_overlay_start_0:
0x88: {  	s2 =	sld [smem:$0x3FD9]  }
0x89: {  	s3 =	sld [smem:$0x3FFE];
	_ =	sdelay $0x1  }
0x8a: {  	s1 =	srdreg.scid  }
0x8b: {  	s0 =	sand.u32 $0x1, s1  }
0x8c: {  	s17 =	sshll.u32 s0, $0xA;
	s2 =	sadd.s32 s3, s2  }
0x8d: {  	s2 =	sadd.s32 s2, s17  }
0x8e: {  	[smem:$0x3FC2] =	sst s2  }
0x8f: {  	_ = 	snop  }
0x90: {  	s2 =	sld [smem:$0x3FC9]  }
0x91: {  	s18 =	sld [smem:$0x3FD0];
	(tm) =	ssettm $0x1  }
0x92: {  	s4 =	sld [smem:$0x3FFB];
	_ =	sdelay $0x3  }
0x93: {  	_ =	strace s4  }
0x94: {  	s4 =	sld [smem:$0x3FFC];
	_ =	sdelay $0x3  }
0x95: {  	_ =	strace s4  }
0x96: {  	s4 =	sld [smem:$0x3FFD];
	_ =	sdelay $0x3  }
0x97: {  	_ =	strace s4  }
0x98: {  	_ =	strace $0x8FFFFFFF  }
0x99: {  	s19 =	sld [smem:$0x3FDB];
	_ =	sdelay $0x1  }
0x9a: {  	s5 =	simm.s32 $_scs_section_size  }
0x9b: {  	s6 =	simm.s32 $_size__tile_overlayer_lowered;
	s7 =	simm.s32 $_tile_overlayer_lowered  }
0x9c: {  	s22 =	simm.s32 $0x1BFF;
	s21 =	sshll.u32 s7, $0x1;
	s4 =	sadd.s32 s5, s19  }
0x9d: {  	s8 =	simm.s32 $0x0;
	s20 =	sshll.u32 s6, $0x1;
	s6 =	sadd.s32 s21, s4  }
0x9e: {  	[timem:s8], [sflag:s22] =	dma.local [hbm:s6], s20  }
0x9f: {  	_ =	swait.ge [sflag:s22], s20  }
0xa0: {  	s5 =	ssub.s32 $0x0, s20;
	[sflag:s22] =	ssyncset.done $0x0  }
0xa1: {  	[sflag:s22] =	ssyncadd.s32 s5;
	_ =	sdelay $0x1  }
0xa2: {  	s23 =	simm.s32 $0x1B8B  }
0xa3: {  	_ =	swait.ge [sflag:s23], $0x1  }
0xa4: {  	[sflag:s23] =	ssyncset.done $0x0  }
0xa5: {  	s25 =	simm.s32 $0x1B8E;
	s24 =	sld [smem:$0x3FFE];
	[sflag:s23] =	ssyncadd.s32 $0xFFFFFFFF  }
0xa6: {  	s26 =	simm.s32 $execute0_lowered;
	[smem:$0x3FD2] =	sst s25  }
0xa7: {  	s6 =	sshll.u32 s26, $0x1;
	_ =	strace $0x80000046;
	[dreg:$0x1] =	wrdreg $0xFFFFFFFF  }
0xa8: {  	s28 =	simm.s32 $_size_execute0_lowered;
	s4 =	sadd.s32 s4, s6;
	[dreg:$0x0] =	wrdreg $0x0  }
0xa9: {  	s6 =	sshll.u32 s28, $0x1;
	[dreg:$0x2] =	wrdreg s4  }
0xaa: {  	[dreg:$0x3] =	wrdreg s6  }
0xab: {  	[dreg:$0x4] =	wrdreg $0xC0  }
0xac: {  	_ =	task [dreg:s8], $0x5FFFF  }
0xad: {  	[dreg:$0x1] =	wrdreg $0xFFFFFFFF  }
0xae: {  	[dreg:$0x0] =	wrdreg $0x60  }
0xaf: {  	[dreg:$0x2] =	wrdreg s2  }
0xb0: {  	[dreg:$0x3] =	wrdreg s24  }
0xb1: {  	[dreg:$0x4] =	wrdreg s18  }
0xb2: {  	[dreg:$0x5] =	wrdreg $0x9  }
0xb3: {  	_ =	task.clear_ibuf [dreg:s8], $0x6FFFF;
	_ =	strace $0x90000046  }
0xb4: {  	s29 =	simm.s32 $0x9;
	_ =	strace $0x80000048  }
0xb5: {  	_ =	swait.ge [sflag:s29], $0x1  }
0xb6: {  	[sflag:s29] =	ssyncadd.s32 $0xFFFFFFFF  }
0xb7: {  	_ =	strace $0x90000048  }
0xb8: {  	_ =	sfence  }
0xb9: {  	s30 =	sld [smem:$0x0];
	_ =	sdelay $0x2  }
0xba: {  	s31 =	sshll.u32 s1, $0xD;
	s1 =	sshrl.u32 s1, $0x2  }
0xbb: {  	s3 =	sand.u32 $0x4000, s31;
	s1 =	sadd.s32 s1, s30  }
0xbc: {  	s0 =	sor.u32 s3, s0;
	s1 =	sshll.u32 s1, $0x11  }
0xbd: {  	s0 =	sor.u32 s1, s0  }
0xbe: {  	s0 =	sadd.s32 $0x8F2B, s0  }
0xbf: {  	[sflag:s0] =	ssyncadd.remote.s32 $0x1  }
0xc0: {  	_ =	sfence.sel $0xFFFF  }
0xc1: {  	[dreg:$0x0] =	wrdreg $0xFFFFFFFF;
	(pc) =	sbr.abs _section_cstart, $3  }
0xc2: {  	[dreg:$0x1] =	wrdreg $0xFFFFFFFF  }
0xc3: {  	_ =	task.clear_ibuf [dreg:s8], $0x2FFFF;
	_ =	strace $0x9FFFFFFF  }
0xc4: {  	(tm) =	ssettm $0x7FFFFFFF  }
0xc5: {  	_ =	shalt  }
tec
execute0_lowered:
.L_overlay_start_1:
0x0: {  	(tag) =	ssettag $0x1  }
0x1: {  	s4 =	rddreg [dreg:$0x0]  }
0x2: {  	s3 =	rddreg [dreg:$0x1]  }
0x3: {  	s5 =	rddreg [dreg:$0x2]  }
0x4: {  	s0 =	rddreg [dreg:$0x3];
	s1 =	simm.s32 $0x0  }
0x5: {  	s2 =	srdreg.scid;
	s10 =	simm.s32 $0x600;
	s11 =	simm.s32 $0x3  }
0x6: {  	s12 =	simm.s32 $0x0;
	[smem:$0x7FF] =	sst s1;
	s6 =	sand.u32 $0x1, s2  }
0x7: {  	s2 =	stileid.u32;
	s3 =	sadd.s32 $0xE00, s3;
	_ =	strace $0x80000047  }
0x8: {  	s7 =	ssub.s32 $0x2, s6;
	s9 =	sshll.u32 s2, $0x7;
	s6 =	sshll.u32 s6, $0x6  }
0x9: {  	s8 =	sshrl.u32 s7, $0x1;
	s6 =	sor.u32 s6, s9;
	s9 =	simm.s32 $0x2  }
0xa: {  	s7 =	ssub.s32 s7, s8;
	s4 =	sadd.s32 s4, s6;
	s5 =	sadd.s32 s5, s6  }
0xb: {  	s8 =	simm.s32 $0x1;
	s6 =	smax.u32 s7, $0x1;
	s7 =	simm.s32 $0x200  }
.LBB2_1:
0xc: {  	[tilespmem:s7], [sflag:$0x1] =	stream.linear.gather [hbm4b:s3+s1], $0x400, $0x38;
	[tilespmem:$0x800] =	vst v63  }
0xd: {  	_ = 	snop  }
0xe: {  	[tilespmem:s1], [sflag:$0x2] =	stream.linear.gather [hbm4b:s4+s1], $0x200, $0x38;
	[tilespmem:$0x800] =	vst v63  }
0xf: {  	_ =	swait.ge [sflag:s8], $0x400  }
0x10: {  	[sflag:s8] =	ssyncset.done $0x0  }
0x11: {  	[sflag:s8] =	ssyncadd.s32 $0xFFFFFC00  }
0x12: {  	_ =	swait.ge [sflag:s9], $0x200  }
0x13: {  	[sflag:s9] =	ssyncset.done $0x0  }
0x14: {  	s13 =	simm.s32 $0x0;
	[sflag:s9] =	ssyncadd.s32 $0xFFFFFE00  }
0x15: {  	v0 =	vld [tilespmem:s13+$0x0];
	_ =	sdelay $0x7  }
0x16: {  	s14 =	simm.s32 $0x10;
	s15 =	simm.s32 $0x80;
	v0 =	vld.idx.msk [tilespmem:v0+s7+$0x0], $0xffff  }
.LBB2_2:
0x17: {  	p0 =	sne.s32 s15, $0x7C0;
	v1 =	vld [tilespmem:s14+$0x0];
	_ =	sdelay $0x3  }
.Ltmp0:
0x18: {  	(pc) =	sbr.rel @p0 .LBB2_2-.Ltmp0, $2  }
0x19: {  	[tilespmem:s13+$0x600] =	vst v0;
	s13 =	smov.u32 s14;
	_ =	sdelay $0x2  }
0x1a: {  	s14 =	sshra.s32 s15, $0x2;
	s15 =	sadd.s32 $0x40, s15;
	v0 =	vld.idx.msk [tilespmem:v1+s7+$0x0], $0xffff  }
0x1b: {  	v1 =	vld [tilespmem:s14+$0x0];
	_ =	sdelay $0x6  }
0x1c: {  	[tilespmem:s13+$0x600] =	vst v0  }
0x1d: {  	v0 =	vld.idx.msk [tilespmem:v1+s7+$0x0], $0xffff;
	_ =	sdelay $0x2  }
0x1e: {  	s12 =	sadd.s32 $0x1, s12  }
0x1f: {  	p0 =	sne.s32 s12, s6  }
.Ltmp1:
0x20: {  	[tilespmem:s14+$0x600] =	vst v0;
	(pc) =	sbr.rel @p0 .LBB2_1-.Ltmp1, $4  }
0x21: {  	[hbm4b:s5+s1] =	stream.linear.scatter [tilespmem:s10], [sflag:$0x3], $0x200, $0x38;
	[tilespmem:$0x800] =	vst v63  }
0x22: {  	_ =	swait.ge [sflag:s11], $0x200  }
0x23: {  	[sflag:s11] =	ssyncset.done $0x0  }
0x24: {  	[sflag:s11] =	ssyncadd.s32 $0xFFFFFE00  }
0x25: {  	_ =	sfence.sel $0x180000  }
0x26: {  	[bflag:$0x0] =	sbarrier.arrive $0xFFFF  }
0x27: {  	p0 =	sne.s32 s2, $0x0;
	_ =	strace $0x90000047  }
0x28: {  	s0 =	sadd.s32 @!p0 $0x100000, s0;
	[bflag:$0x2] =	sbarrier.arrive $0xFFFF  }
0x29: {  	[sflag:s0] =	ssyncadd.tile.s32 @!p0 $0x1;
	_ =	shalt  }
.Lfunc_end2:
_tile_overlayer_lowered:
.L_overlay_start_2:
0x2a: {  	(tag) =	ssettag $0x2  }
0x2b: {  	s0 =	rddreg [dreg:$0x0];
	s2 =	stileid.u32  }
0x2c: {  	s1 =	rddreg [dreg:$0x1];
	p0 =	sne.s32 s2, $0x0  }
0x2d: {  	s3 =	rddreg [dreg:$0x2];
	[bflag:$0x3] =	sbarrier.arrive $0xFFFF;
	s2 =	simm.s32 @!p0 $0x1C03  }
0x2e: {  	[timem:s3], [sflag:s2] =	dma.local @!p0 [hbm:s0], s1  }
0x2f: {  	s0 =	simm.s32 @!p0 $0x3  }
0x30: {  	_ =	swait.ge @!p0 [sflag:s0], s1  }
0x31: {  	s1 =	ssub.s32 @!p0 $0x0, s1;
	[sflag:s0] =	ssyncset.done @!p0 $0x0  }
0x32: {  	[sflag:s0] =	ssyncadd.s32 @!p0 s1  }
0x33: {  	[bflag:$0x3] =	sbarrier.arrive $0xFFFF  }
0x34: {  	_ =	shalt  }

</sc_bundles>
